<compile_context>
chip_gen: v7x
topology: tpu7x:2x2x1
jax: 0.10.2.dev20260603
libtpu: 0.0.44.dev20260713+nightly
codegen_flags: <defaults>
</compile_context>

<pallas_src>
import functools

import jax
import jax.numpy as jnp
from jax import lax
from jax.experimental import pallas as pl
from jax.experimental.pallas import tpu as pltpu
from jax.experimental.pallas import tpu_sc as plsc

_NUM_ROWS = 16384
_NUM_CLASSES = 3

_INFO = plsc.get_sparse_core_info()
_NC, _NS, _L = _INFO.num_cores, _INFO.num_subcores, _INFO.num_lanes
_MESH_NC = 1
_NW = _MESH_NC * _NS
_ROWS_PER_W = _NUM_ROWS // _NW
_HALF = _ROWS_PER_W // 2
_STEPS = _HALF // _L

_MESH = plsc.VectorSubcoreMesh(
    core_axis_name="c", subcore_axis_name="s", num_cores=_MESH_NC
)


@functools.partial(
    pl.kernel,
    mesh=_MESH,
    out_type=jax.ShapeDtypeStruct((_NUM_ROWS,), jnp.int32),
    scratch_types=[
        pltpu.VMEM((_NUM_CLASSES, _HALF), jnp.float32),
        pltpu.VMEM((_NUM_CLASSES, _HALF), jnp.float32),
        pltpu.VMEM((_ROWS_PER_W,), jnp.int32),
        pltpu.SemaphoreType.DMA,
        pltpu.SemaphoreType.DMA,
    ],
    compiler_params=pltpu.CompilerParams(needs_layout_passes=False),
)
def _patch_size_sc(probs_t_hbm, out_hbm, half_a, half_b, out_v, sem_a, sem_b):
    wid = lax.axis_index("s") * _MESH_NC + lax.axis_index("c")
    row0 = wid * _ROWS_PER_W
    copy_a = pltpu.async_copy(
        probs_t_hbm.at[:, pl.ds(row0, _HALF)], half_a, sem_a
    )
    copy_b = pltpu.async_copy(
        probs_t_hbm.at[:, pl.ds(row0 + _HALF, _HALF)], half_b, sem_b
    )
    size1 = jnp.full((_L,), 48, jnp.int32)
    size2 = jnp.full((_L,), 64, jnp.int32)
    size3 = jnp.full((_L,), 80, jnp.int32)

    def make_step(probs_v, out_base):
        def step(i, _):
            base = i * _L
            p0 = probs_v[0, pl.ds(base, _L)]
            p1 = probs_v[1, pl.ds(base, _L)]
            p2 = probs_v[2, pl.ds(base, _L)]
            best = jnp.where(p1 > p0, size2, size1)
            best = jnp.where(p2 > jnp.maximum(p0, p1), size3, best)
            out_v[pl.ds(out_base + base, _L)] = best
            return _

        return step

    copy_a.wait()
    lax.fori_loop(0, _STEPS, make_step(half_a, 0), None)
    copy_b.wait()
    lax.fori_loop(0, _STEPS, make_step(half_b, _HALF), None)
    pltpu.sync_copy(out_v, out_hbm.at[pl.ds(row0, _ROWS_PER_W)])


def kernel(patch_probs):
    return _patch_size_sc(patch_probs.T)

# --- scband reference (transcript-rebuilt; emitter-appended) ---
"""Pipeline reference for scband-patch-size-adapter-7275674599605 (READ-ONLY COPY).

The authoritative reference and input builder live on the scoring server;
editing this copy changes nothing except your own understanding.
"""

import jax, jax.numpy as jnp
import numpy as np

BASE_PATCH_SIZE = 64
SCALE_FACTORS = (0.75, 1.0, 1.25)


def setup_inputs(seed: int = 0) -> dict:
    key = jax.random.key(seed)
    patch_probs = jax.random.uniform(key, (16384, 3), dtype=jnp.float32)
    return {"patch_probs": patch_probs}


def reference(patch_probs):
    # indices = argmax over class dim
    indices = jnp.argmax(patch_probs, axis=1)
    scale_factors = jnp.asarray(SCALE_FACTORS, dtype=jnp.float32)
    # gather selected scale per batch element
    selected_scales = jnp.take(scale_factors, indices, axis=0)
    optimal_sizes = (BASE_PATCH_SIZE * selected_scales).astype(jnp.int32)
    return optimal_sizes

if __name__ == "__main__":
    import jax
    _d = setup_inputs()
    print(jax.jit(kernel)(*tuple(_d.values())))

</pallas_src>

<mosaic_0001>
#map = affine_map<(d0, d1) -> (0, 0)>
#map1 = affine_map<(d0, d1) -> (0)>
module attributes {stable_mosaic.version = 14 : i64} {
  func.func @_patch_size_sc(%arg0: i32, %arg1: i32, %arg2: memref<3x16384xf32, #tpu.memory_space<hbm>>, %arg3: memref<16384xi32, #tpu.memory_space<hbm>>, %arg4: memref<3x512xf32, #tpu.memory_space<vmem>>, %arg5: memref<3x512xf32, #tpu.memory_space<vmem>>, %arg6: memref<1024xi32, #tpu.memory_space<vmem>>, %arg7: memref<!tpu.dma_semaphore, #tpu.memory_space<semaphore_mem>>, %arg8: memref<!tpu.dma_semaphore, #tpu.memory_space<semaphore_mem>>) attributes {dimension_semantics = [#tpu.dimension_semantics<core_parallel>, #tpu.dimension_semantics<subcore_parallel>], iteration_bounds = array<i64: 1, 16>, scalar_prefetch = 0 : i64, scratch_operands = 5 : i64, tpu.core_type = #tpu.core_type<sc_vector_subcore>, window_params = [{transform_indices = #map}, {transform_indices = #map1}]} {
    %mul3A = arith.constant 1 : i32
    %mul3A_0 = arith.muli %arg1, %mul3A : i32
    %add3A = arith.addi %mul3A_0, %arg0 : i32
    %mul3A_1 = arith.constant 1024 : i32
    %mul3A_2 = arith.muli %add3A, %mul3A_1 : i32
    %dma_start3A = arith.constant 0 : i32
    %dma_start3A_3 = tpu.memref_slice %arg2[%dma_start3A, %mul3A_2] : memref<3x16384xf32, #tpu.memory_space<hbm>> -> memref<3x512xf32, #tpu.memory_space<hbm>>
    %dma_start3A_4 = arith.constant 0 : i32
    %dma_start3A_5 = tpu.memref_slice %arg2[%dma_start3A_4, %mul3A_2] : memref<3x16384xf32, #tpu.memory_space<hbm>> -> memref<3x512xf32, #tpu.memory_space<hbm>>
    tpu.enqueue_dma source(%dma_start3A_5 : memref<3x512xf32, #tpu.memory_space<hbm>>) target(%arg4 : memref<3x512xf32, #tpu.memory_space<vmem>>) target_semaphore(%arg7 : memref<!tpu.dma_semaphore, #tpu.memory_space<semaphore_mem>>)
    %add3A_6 = arith.constant 512 : i32
    %add3A_7 = arith.addi %mul3A_2, %add3A_6 : i32
    %dma_start3A_8 = arith.constant 0 : i32
    %dma_start3A_9 = tpu.memref_slice %arg2[%dma_start3A_8, %add3A_7] : memref<3x16384xf32, #tpu.memory_space<hbm>> -> memref<3x512xf32, #tpu.memory_space<hbm>>
    %dma_start3A_10 = arith.constant 0 : i32
    %dma_start3A_11 = tpu.memref_slice %arg2[%dma_start3A_10, %add3A_7] : memref<3x16384xf32, #tpu.memory_space<hbm>> -> memref<3x512xf32, #tpu.memory_space<hbm>>
    tpu.enqueue_dma source(%dma_start3A_11 : memref<3x512xf32, #tpu.memory_space<hbm>>) target(%arg5 : memref<3x512xf32, #tpu.memory_space<vmem>>) target_semaphore(%arg8 : memref<!tpu.dma_semaphore, #tpu.memory_space<semaphore_mem>>)
    %broadcast_in_dim3A = arith.constant 48 : i32
    %broadcast_in_dim3A_12 = vector.broadcast %broadcast_in_dim3A : i32 to vector<16xi32>
    %broadcast_in_dim3A_13 = arith.constant 64 : i32
    %broadcast_in_dim3A_14 = vector.broadcast %broadcast_in_dim3A_13 : i32 to vector<16xi32>
    %broadcast_in_dim3A_15 = arith.constant 80 : i32
    %broadcast_in_dim3A_16 = vector.broadcast %broadcast_in_dim3A_15 : i32 to vector<16xi32>
    %dma_wait3A = arith.constant 0 : i32
    %dma_wait3A_17 = tpu.memref_slice %arg2[%dma_wait3A, %mul3A_2] : memref<3x16384xf32, #tpu.memory_space<hbm>> -> memref<3x512xf32, #tpu.memory_space<hbm>>
    %dma_wait3A_18 = arith.constant 0 : i32
    %dma_wait3A_19 = tpu.memref_slice %arg2[%dma_wait3A_18, %mul3A_2] : memref<3x16384xf32, #tpu.memory_space<hbm>> -> memref<3x512xf32, #tpu.memory_space<hbm>>
    tpu.wait_dma2 semaphore(%arg7 : memref<!tpu.dma_semaphore, #tpu.memory_space<semaphore_mem>>) src(%dma_wait3A_19 : memref<3x512xf32, #tpu.memory_space<hbm>>) dst(%arg4 : memref<3x512xf32, #tpu.memory_space<vmem>>)
    %scan3A = arith.constant 0 : i32
    %scan3A_20 = arith.constant 32 : i32
    %scan3A_21 = arith.addi %scan3A, %scan3A_20 : i32
    %scan3A_22 = arith.constant 1 : i32
    scf.for %scan3A_33 = %scan3A to %scan3A_21 step %scan3A_22  : i32 {
      %mul3A_34 = arith.constant 16 : i32
      %mul3A_35 = arith.muli %scan3A_33, %mul3A_34 : i32
      %get3A = arith.constant 0 : i32
      %get3A_36 = arith.index_cast %get3A : i32 to index
      %get3A_37 = arith.index_cast %mul3A_35 : i32 to index
      %get3A_38 = tpu.vector_load %arg4[%get3A_36, %get3A_37] {strides = array<i32>} : memref<3x512xf32, #tpu.memory_space<vmem>>, vector<16xf32>,
      %get3A_39 = arith.constant 1 : i32
      %get3A_40 = arith.index_cast %get3A_39 : i32 to index
      %get3A_41 = arith.index_cast %mul3A_35 : i32 to index
      %get3A_42 = tpu.vector_load %arg4[%get3A_40, %get3A_41] {strides = array<i32>} : memref<3x512xf32, #tpu.memory_space<vmem>>, vector<16xf32>,
      %get3A_43 = arith.constant 2 : i32
      %get3A_44 = arith.index_cast %get3A_43 : i32 to index
      %get3A_45 = arith.index_cast %mul3A_35 : i32 to index
      %get3A_46 = tpu.vector_load %arg4[%get3A_44, %get3A_45] {strides = array<i32>} : memref<3x512xf32, #tpu.memory_space<vmem>>, vector<16xf32>,
      %gt3A = arith.cmpf ogt, %get3A_42, %get3A_38 : vector<16xf32>
      %select_n3A = arith.select %gt3A, %broadcast_in_dim3A_14, %broadcast_in_dim3A_12 : vector<16xi1>, vector<16xi32>
      %max3A = arith.maximumf %get3A_38, %get3A_42 : vector<16xf32>
      %gt3A_47 = arith.cmpf ogt, %get3A_46, %max3A : vector<16xf32>
      %select_n3A_48 = arith.select %gt3A_47, %broadcast_in_dim3A_16, %select_n3A : vector<16xi1>, vector<16xi32>
      %add3A_49 = arith.constant 0 : i32
      %add3A_50 = arith.addi %add3A_49, %mul3A_35 : i32
      %swap3A = arith.index_cast %add3A_50 : i32 to index
      %swap3A_51 = tpu.vector_load %arg6[%swap3A] {strides = array<i32>} : memref<1024xi32, #tpu.memory_space<vmem>>, vector<16xi32>,
      tpu.vector_store %arg6[%swap3A], %select_n3A_48 {strides = array<i32>} : memref<1024xi32, #tpu.memory_space<vmem>>, vector<16xi32>,
    }
    %scan3A_23 = arith.constant 32 : i32
    %dma_wait3A_24 = arith.constant 0 : i32
    %dma_wait3A_25 = tpu.memref_slice %arg2[%dma_wait3A_24, %add3A_7] : memref<3x16384xf32, #tpu.memory_space<hbm>> -> memref<3x512xf32, #tpu.memory_space<hbm>>
    %dma_wait3A_26 = arith.constant 0 : i32
    %dma_wait3A_27 = tpu.memref_slice %arg2[%dma_wait3A_26, %add3A_7] : memref<3x16384xf32, #tpu.memory_space<hbm>> -> memref<3x512xf32, #tpu.memory_space<hbm>>
    tpu.wait_dma2 semaphore(%arg8 : memref<!tpu.dma_semaphore, #tpu.memory_space<semaphore_mem>>) src(%dma_wait3A_27 : memref<3x512xf32, #tpu.memory_space<hbm>>) dst(%arg5 : memref<3x512xf32, #tpu.memory_space<vmem>>)
    %scan3A_28 = arith.constant 0 : i32
    %scan3A_29 = arith.constant 32 : i32
    %scan3A_30 = arith.addi %scan3A_28, %scan3A_29 : i32
    %scan3A_31 = arith.constant 1 : i32
    scf.for %scan3A_33 = %scan3A_28 to %scan3A_30 step %scan3A_31  : i32 {
      %mul3A_34 = arith.constant 16 : i32
      %mul3A_35 = arith.muli %scan3A_33, %mul3A_34 : i32
      %get3A = arith.constant 0 : i32
      %get3A_36 = arith.index_cast %get3A : i32 to index
      %get3A_37 = arith.index_cast %mul3A_35 : i32 to index
      %get3A_38 = tpu.vector_load %arg5[%get3A_36, %get3A_37] {strides = array<i32>} : memref<3x512xf32, #tpu.memory_space<vmem>>, vector<16xf32>,
      %get3A_39 = arith.constant 1 : i32
      %get3A_40 = arith.index_cast %get3A_39 : i32 to index
      %get3A_41 = arith.index_cast %mul3A_35 : i32 to index
      %get3A_42 = tpu.vector_load %arg5[%get3A_40, %get3A_41] {strides = array<i32>} : memref<3x512xf32, #tpu.memory_space<vmem>>, vector<16xf32>,
      %get3A_43 = arith.constant 2 : i32
      %get3A_44 = arith.index_cast %get3A_43 : i32 to index
      %get3A_45 = arith.index_cast %mul3A_35 : i32 to index
      %get3A_46 = tpu.vector_load %arg5[%get3A_44, %get3A_45] {strides = array<i32>} : memref<3x512xf32, #tpu.memory_space<vmem>>, vector<16xf32>,
      %gt3A = arith.cmpf ogt, %get3A_42, %get3A_38 : vector<16xf32>
      %select_n3A = arith.select %gt3A, %broadcast_in_dim3A_14, %broadcast_in_dim3A_12 : vector<16xi1>, vector<16xi32>
      %max3A = arith.maximumf %get3A_38, %get3A_42 : vector<16xf32>
      %gt3A_47 = arith.cmpf ogt, %get3A_46, %max3A : vector<16xf32>
      %select_n3A_48 = arith.select %gt3A_47, %broadcast_in_dim3A_16, %select_n3A : vector<16xi1>, vector<16xi32>
      %add3A_49 = arith.constant 512 : i32
      %add3A_50 = arith.addi %add3A_49, %mul3A_35 : i32
      %swap3A = arith.index_cast %add3A_50 : i32 to index
      %swap3A_51 = tpu.vector_load %arg6[%swap3A] {strides = array<i32>} : memref<1024xi32, #tpu.memory_space<vmem>>, vector<16xi32>,
      tpu.vector_store %arg6[%swap3A], %select_n3A_48 {strides = array<i32>} : memref<1024xi32, #tpu.memory_space<vmem>>, vector<16xi32>,
    }
    %scan3A_32 = arith.constant 32 : i32
    "tpu.region"() ({
      %run_scoped3A = tpu.sem_alloc : memref<!tpu.dma_semaphore, #tpu.memory_space<semaphore_mem>>
      %dma_start3A_33 = tpu.memref_slice %arg3[%mul3A_2] : memref<16384xi32, #tpu.memory_space<hbm>> -> memref<1024xi32, #tpu.memory_space<hbm>>
      %dma_start3A_34 = tpu.memref_slice %arg3[%mul3A_2] : memref<16384xi32, #tpu.memory_space<hbm>> -> memref<1024xi32, #tpu.memory_space<hbm>>
      tpu.enqueue_dma source(%arg6 : memref<1024xi32, #tpu.memory_space<vmem>>) target(%dma_start3A_34 : memref<1024xi32, #tpu.memory_space<hbm>>) target_semaphore(%run_scoped3A : memref<!tpu.dma_semaphore, #tpu.memory_space<semaphore_mem>>)
      %dma_wait3A_35 = tpu.memref_slice %arg3[%mul3A_2] : memref<16384xi32, #tpu.memory_space<hbm>> -> memref<1024xi32, #tpu.memory_space<hbm>>
      %dma_wait3A_36 = tpu.memref_slice %arg3[%mul3A_2] : memref<16384xi32, #tpu.memory_space<hbm>> -> memref<1024xi32, #tpu.memory_space<hbm>>
      tpu.wait_dma2 semaphore(%run_scoped3A : memref<!tpu.dma_semaphore, #tpu.memory_space<semaphore_mem>>) src(%arg6 : memref<1024xi32, #tpu.memory_space<vmem>>) dst(%dma_wait3A_36 : memref<1024xi32, #tpu.memory_space<hbm>>)
      tpu.yield
    }) : () -> ()
    return
  }
}

</mosaic_0001>

<sc_bundles>
// kernel: kernel.3.cloned.1.call-start
scs
__scs_entry_jumppad:
0x0: {  	(pc) =	sbr.rel $0x88, $3  }
0x1: {  	(tag) =	ssettag $0x0;
	lr =	simm.s32 $0x1  }
0x2: {  	[smem:$0x3FA0] =	sst lr;
	_ =	strace $0xD0000000  }
0x3: {  	_ = 	snop  }
0x4: {  	_ = 	snop  }
0x5: {  	_ = 	snop  }
0x6: {  	_ = 	snop  }
0x7: {  	_ = 	snop  }
__scs_overlays_trampoline_lowered:
0x8: {  	[smem:$0x3FAF] =	sst s0  }
0x9: {  	[smem:$0x3FB0] =	sst s1  }
0xa: {  	[smem:$0x3FB1] =	sst s2  }
0xb: {  	[smem:$0x3FB2] =	sst s3  }
0xc: {  	[smem:$0x3FB3] =	sst s4  }
0xd: {  	[smem:$0x3FB4] =	sst s5  }
0xe: {  	[smem:$0x3FB5] =	sst s6  }
0xf: {  	[smem:$0x3FB6] =	sst s7  }
0x10: {  	[smem:$0x3FB7] =	sst s8  }
0x11: {  	[smem:$0x3FB8] =	sst s9;
	s0 =	simm.s32 @!p0 $0x0  }
0x12: {  	s1 =	sld [smem:$0x3F9E];
	s0 =	simm.s32 @p0 $0x1  }
0x13: {  	[smem:$0x3FB9] =	sst s0;
	s0 =	simm.s32 @!p1 $0x0  }
0x14: {  	s2 =	sld [smem:$0x3F9D];
	s0 =	simm.s32 @p1 $0x1  }
0x15: {  	[smem:$0x3FBA] =	sst s0;
	s0 =	simm.s32 @!p2 $0x0  }
0x16: {  	s3 =	sld [smem:$0x3FDB];
	s0 =	simm.s32 @p2 $0x1  }
0x17: {  	s4 =	simm.s32 $0x1BF5;
	[smem:$0x3FBC] =	sst s0  }
0x18: {  	s0 =	sld [smem:$0x3F9F];
	_ =	swait.ge [sflag:s4], $0x0  }
0x19: {  	s7 =	sld [smem:$0x3FA0]  }
0x1a: {  	s8 =	sadd.s32 $0xFFFFE003, lr  }
0x1b: {  	s9 =	sadd.s32 $0xFFFFFEF7, lr;
	s5 =	simm.s32 $0xFFFFFFFF;
	p2 =	slt.u32 s8, $0xFFFFF086  }
0x1c: {  	p1 =	slt.u32 s9, $0xF7A;
	s5 =	simm.s32 @!p2 $0x0  }
0x1d: {  	s5 =	simm.s32 @p1 $0x1;
	p0 =	seq.s32 s7, s2  }
0x1e: {  	s7 =	smul.u32 @!p0 $0xF7A, s2;
	p2 =	seq.s32 @!p0 s5, $0x0  }
0x1f: {  	s9 =	smul.u32 $0xF7A, s1;
	s8 =	simm.s32 @!p0 $0x1BF5;
	p2 =	por !p2, p0  }
0x20: {  	[sflag:s8] =	ssyncset.s32 @!p0 $0xFFFFF086;
	s6 =	sadd.s32 @!p0 s3, s7;
	s7 =	simm.s32 @!p0 $0x108  }
0x21: {  	s3 =	sadd.s32 s3, s9;
	s6 =	sadd.s32 @!p0 $0x88, s6;
	s7 =	simm.s32 @p2 $0x1082  }
0x22: {  	[simem:s7], [sflag:s8] =	dma.local @!p0 [hbm:s6], $0xF7A  }
0x23: {  	s9 =	sor.u32 $0xD0000000, s2;
	s6 =	simm.s32 $0x108;
	_ =	swait.ge @!p0 [sflag:s8], $0x0  }
0x24: {  	s3 =	sadd.s32 $0x88, s3;
	s6 =	simm.s32 @!p1 $0x1082;
	[sflag:s4] =	ssyncset.s32 $0xFFFFF086  }
0x25: {  	[simem:s6], [sflag:s4] =	dma.local [hbm:s3], $0xF7A  }
0x26: {  	[smem:$0x3FA0] =	sst s1;
	(tag) =	ssettag s2;
	_ =	strace s9  }
0x27: {  	s1 =	sld [smem:$0x3FB0]  }
0x28: {  	s2 =	sld [smem:$0x3FB1]  }
0x29: {  	s4 =	sld [smem:$0x3FB3]  }
0x2a: {  	p0 =	seq.s32 s5, $0x0;
	s5 =	sld [smem:$0x3FB4]  }
0x2b: {  	s6 =	sld [smem:$0x3FB5]  }
0x2c: {  	s7 =	sld [smem:$0x3FB6]  }
0x2d: {  	s3 =	simm.s32 $0x108;
	s8 =	sld [smem:$0x3FB7]  }
0x2e: {  	s3 =	simm.s32 @!p0 $0x1082;
	s9 =	sld [smem:$0x3FB8]  }
0x2f: {  	lr =	sadd.s32 s0, s3;
	s0 =	sld [smem:$0x3FAF]  }
0x30: {  	s3 =	sld [smem:$0x3FB2]  }
0x31: {  	[smem:$0x3FBB] =	sst s10  }
0x32: {  	s10 =	sld [smem:$0x3FB9];
	_ =	sdelay $0x3  }
0x33: {  	p0 =	seq.s32 s10, $0x1;
	s10 =	sld [smem:$0x3FBB];
	_ =	sdelay $0x3  }
0x34: {  	[smem:$0x3FBB] =	sst s10  }
0x35: {  	s10 =	sld [smem:$0x3FBA];
	_ =	sdelay $0x3  }
0x36: {  	p1 =	seq.s32 s10, $0x1;
	s10 =	sld [smem:$0x3FBB];
	_ =	sdelay $0x3  }
0x37: {  	[smem:$0x3FBB] =	sst s10  }
0x38: {  	s10 =	sld [smem:$0x3FBC]  }
0x39: {  	_ = 	snop;
	(pc) =	sbr.ind lr, $3  }
0x3a: {  	_ = 	snop  }
0x3b: {  	_ = 	snop  }
0x3c: {  	p2 =	seq.s32 s10, $0x1;
	s10 =	sld [smem:$0x3FBB]  }
0x3d: {  	_ =	shalt  }
0x3e: {  	_ =	shalt  }
0x3f: {  	_ =	shalt  }
0x40: {  	_ =	shalt  }
0x41: {  	_ =	shalt  }
0x42: {  	_ =	shalt  }
0x43: {  	_ =	shalt  }
0x44: {  	_ =	shalt  }
0x45: {  	_ =	shalt  }
0x46: {  	_ =	shalt  }
0x47: {  	_ =	shalt  }
0x48: {  	_ =	shalt  }
0x49: {  	_ =	shalt  }
0x4a: {  	_ =	shalt  }
0x4b: {  	_ =	shalt  }
0x4c: {  	_ =	shalt  }
0x4d: {  	_ =	shalt  }
0x4e: {  	_ =	shalt  }
0x4f: {  	_ =	shalt  }
0x50: {  	_ =	shalt  }
0x51: {  	_ =	shalt  }
0x52: {  	_ =	shalt  }
0x53: {  	_ =	shalt  }
0x54: {  	_ =	shalt  }
0x55: {  	_ =	shalt  }
0x56: {  	_ =	shalt  }
0x57: {  	_ =	shalt  }
0x58: {  	_ =	shalt  }
0x59: {  	_ =	shalt  }
0x5a: {  	_ =	shalt  }
0x5b: {  	_ =	shalt  }
0x5c: {  	_ =	shalt  }
0x5d: {  	_ =	shalt  }
0x5e: {  	_ =	shalt  }
0x5f: {  	_ =	shalt  }
0x60: {  	_ =	shalt  }
0x61: {  	_ =	shalt  }
0x62: {  	_ =	shalt  }
0x63: {  	_ =	shalt  }
0x64: {  	_ =	shalt  }
0x65: {  	_ =	shalt  }
0x66: {  	_ =	shalt  }
0x67: {  	_ =	shalt  }
0x68: {  	_ =	shalt  }
0x69: {  	_ =	shalt  }
0x6a: {  	_ =	shalt  }
0x6b: {  	_ =	shalt  }
0x6c: {  	_ =	shalt  }
0x6d: {  	_ =	shalt  }
0x6e: {  	_ =	shalt  }
0x6f: {  	_ =	shalt  }
0x70: {  	_ =	shalt  }
0x71: {  	_ =	shalt  }
0x72: {  	_ =	shalt  }
0x73: {  	_ =	shalt  }
0x74: {  	_ =	shalt  }
0x75: {  	_ =	shalt  }
0x76: {  	_ =	shalt  }
0x77: {  	_ =	shalt  }
0x78: {  	_ =	shalt  }
0x79: {  	_ =	shalt  }
0x7a: {  	_ =	shalt  }
0x7b: {  	_ =	shalt  }
0x7c: {  	_ =	shalt  }
0x7d: {  	_ =	shalt  }
0x7e: {  	_ =	shalt  }
0x7f: {  	_ =	shalt  }
0x80: {  	_ =	shalt  }
0x81: {  	_ =	shalt  }
0x82: {  	_ =	shalt  }
0x83: {  	_ =	shalt  }
0x84: {  	_ =	shalt  }
0x85: {  	_ =	shalt  }
0x86: {  	_ =	shalt  }
0x87: {  	_ =	shalt  }
.Lfunc_end0:
.L_simem_size_0:
called_computation_lowered:
.L_overlay_start_0:
0x88: {  	s0 =	sld [smem:$0x3FD9]  }
0x89: {  	s1 =	sld [smem:$0x3FFE];
	_ =	sdelay $0x3  }
0x8a: {  	s0 =	sadd.s32 s1, s0  }
0x8b: {  	[smem:$0x3FC7] =	sst s0  }
0x8c: {  	_ = 	snop  }
0x8d: {  	s0 =	sld [smem:$0x3FC9]  }
0x8e: {  	s17 =	sld [smem:$0x3FD0];
	(tm) =	ssettm $0x1  }
0x8f: {  	s2 =	sld [smem:$0x3FFB];
	_ =	sdelay $0x3  }
0x90: {  	_ =	strace s2  }
0x91: {  	s2 =	sld [smem:$0x3FFC];
	_ =	sdelay $0x3  }
0x92: {  	_ =	strace s2  }
0x93: {  	s2 =	sld [smem:$0x3FFD];
	_ =	sdelay $0x3  }
0x94: {  	_ =	strace s2  }
0x95: {  	_ =	strace $0x8FFFFFFF  }
0x96: {  	s18 =	sld [smem:$0x3FDB];
	_ =	sdelay $0x1  }
0x97: {  	s3 =	simm.s32 $_scs_section_size  }
0x98: {  	s4 =	simm.s32 $_size__tile_overlayer_lowered;
	s5 =	simm.s32 $_tile_overlayer_lowered  }
0x99: {  	s21 =	simm.s32 $0x1BFF;
	s20 =	sshll.u32 s5, $0x1;
	s2 =	sadd.s32 s3, s18  }
0x9a: {  	s6 =	simm.s32 $0x0;
	s19 =	sshll.u32 s4, $0x1;
	s4 =	sadd.s32 s20, s2  }
0x9b: {  	[timem:s6], [sflag:s21] =	dma.local [hbm:s4], s19  }
0x9c: {  	_ =	swait.ge [sflag:s21], s19  }
0x9d: {  	s3 =	ssub.s32 $0x0, s19;
	[sflag:s21] =	ssyncset.done $0x0  }
0x9e: {  	[sflag:s21] =	ssyncadd.s32 s3;
	_ =	sdelay $0x1  }
0x9f: {  	s22 =	simm.s32 $0x1B8B  }
0xa0: {  	_ =	swait.ge [sflag:s22], $0x1  }
0xa1: {  	[sflag:s22] =	ssyncset.done $0x0  }
0xa2: {  	s23 =	simm.s32 $0x1B8E;
	[sflag:s22] =	ssyncadd.s32 $0xFFFFFFFF  }
0xa3: {  	s24 =	simm.s32 $execute0_lowered;
	[smem:$0x3FD2] =	sst s23  }
0xa4: {  	s3 =	sshll.u32 s24, $0x1;
	_ =	strace $0x80000046;
	[dreg:$0x1] =	wrdreg $0xFFFFFFFF  }
0xa5: {  	s25 =	simm.s32 $_size_execute0_lowered;
	s2 =	sadd.s32 s2, s3;
	[dreg:$0x0] =	wrdreg $0x0  }
0xa6: {  	s3 =	sshll.u32 s25, $0x1;
	[dreg:$0x2] =	wrdreg s2  }
0xa7: {  	[dreg:$0x3] =	wrdreg s3  }
0xa8: {  	[dreg:$0x4] =	wrdreg $0xC0  }
0xa9: {  	_ =	task [dreg:s6], $0x5FFFF  }
0xaa: {  	[dreg:$0x1] =	wrdreg $0xFFFFFFFF  }
0xab: {  	[dreg:$0x0] =	wrdreg $0x60  }
0xac: {  	[dreg:$0x2] =	wrdreg s0  }
0xad: {  	[dreg:$0x3] =	wrdreg s17  }
0xae: {  	[dreg:$0x4] =	wrdreg $0x9  }
0xaf: {  	_ =	task.clear_ibuf [dreg:s6], $0x5FFFF;
	_ =	strace $0x90000046  }
0xb0: {  	s26 =	simm.s32 $0x9;
	_ =	strace $0x80000048  }
0xb1: {  	_ =	swait.ge [sflag:s26], $0x1  }
0xb2: {  	[sflag:s26] =	ssyncadd.s32 $0xFFFFFFFF  }
0xb3: {  	_ =	strace $0x90000048  }
0xb4: {  	_ =	sfence  }
0xb5: {  	s28 =	sld [smem:$0x0];
	_ =	sdelay $0x1  }
0xb6: {  	s29 =	srdreg.scid  }
0xb7: {  	s30 =	sshll.u32 s29, $0xD;
	s31 =	sshrl.u32 s29, $0x2  }
0xb8: {  	s1 =	sand.u32 $0x1, s29;
	s2 =	sand.u32 $0x4000, s30;
	s0 =	sadd.s32 s31, s28  }
0xb9: {  	s1 =	sor.u32 s2, s1;
	s0 =	sshll.u32 s0, $0x11  }
0xba: {  	s0 =	sor.u32 s0, s1  }
0xbb: {  	s0 =	sadd.s32 $0x8F2B, s0  }
0xbc: {  	[sflag:s0] =	ssyncadd.remote.s32 $0x1  }
0xbd: {  	_ =	sfence.sel $0xFFFF  }
0xbe: {  	[dreg:$0x0] =	wrdreg $0xFFFFFFFF;
	(pc) =	sbr.abs _section_cstart, $3  }
0xbf: {  	[dreg:$0x1] =	wrdreg $0xFFFFFFFF  }
0xc0: {  	_ =	task.clear_ibuf [dreg:s6], $0x2FFFF;
	_ =	strace $0x9FFFFFFF  }
0xc1: {  	(tm) =	ssettm $0x7FFFFFFF  }
tec
execute0_lowered:
.L_overlay_start_1:
0x0: {  	(tag) =	ssettag $0x1  }
0x1: {  	s4 =	rddreg [dreg:$0x0]  }
0x2: {  	s2 =	rddreg [dreg:$0x1];
	s3 =	simm.s32 $0x0;
	s1 =	stileid.u32  }
0x3: {  	[smem:$0x7FF] =	sst s3;
	s5 =	sshll.u32 s1, $0x9  }
0x4: {  	s0 =	rddreg [dreg:$0x2];
	_ =	strace $0x80000047;
	s4 =	sadd.s32 s4, s5  }
0x5: {  	[tilespmem:s3], [sflag:$0x1] =	stream.linear.gather [hbm4b:s4+s3], $0x800, $0x38;
	[tilespmem:$0x1400] =	vst v63  }
0x6: {  	s28 =	simm.s32 $0x800;
	s29 =	simm.s32 $0x1;
	s4 =	sadd.s32 $0x100, s4  }
0x7: {  	[tilespmem:s28], [sflag:$0x2] =	stream.linear.gather [hbm4b:s4+s3], $0x800, $0x38;
	[tilespmem:$0x1400] =	vst v63  }
0x8: {  	s30 =	sand.u32 $0x70, s3;
	s31 =	sand.u32 $0x600, s3;
	_ =	swait.ge [sflag:s29], $0x800  }
0x9: {  	s6 =	sor.u32 s30, s31;
	[sflag:s29] =	ssyncset.done $0x0  }
0xa: {  	v0 =	vimm.s32 $0x30;
	s5 =	simm.s32 $0x10;
	s4 =	simm.s32 $0x0;
	[sflag:s29] =	ssyncadd.s32 $0xFFFFF800  }
.LBB2_1:
0xb: {  	p0 =	sne.s32 s5, $0x1F0;
	v1 =	vld [tilespmem:s6+$0x80]  }
0xc: {  	v2 =	vld [tilespmem:s6+$0x0]  }
0xd: {  	v3 =	vld [tilespmem:s6+$0x100];
	_ =	sdelay $0x2  }
.Ltmp0:
0xe: {  	(pc) =	sbr.rel @p0 .LBB2_1-.Ltmp0, $4  }
0xf: {  	vm0 =	vgt.f32 v1, v2;
	v1 =	vmax.f32 v2, v1  }
0x10: {  	s3 =	sadd.s32 $0x40, s3;
	v2 =	vsel vm0, $0x40, v0;
	vm0 =	vgt.f32 v3, v1  }
0x11: {  	s4 =	sshra.s32 s4, $0x2;
	s7 =	sand.u32 $0x600, s3;
	s6 =	sand.u32 $0x70, s5;
	v1 =	vsel vm0, $0x50, v2  }
0x12: {  	s5 =	sadd.s32 $0x10, s5;
	s6 =	sor.u32 s6, s7;
	[tilespmem:s4+$0x1000] =	vst v1;
	s4 =	smov.u32 s3  }
0x13: {  	v1 =	vld [tilespmem:s6+$0x80]  }
0x14: {  	v2 =	vld [tilespmem:s6+$0x0]  }
0x15: {  	v3 =	vld [tilespmem:s6+$0x100];
	_ =	sdelay $0x3  }
0x16: {  	vm0 =	vgt.f32 v1, v2;
	v1 =	vmax.f32 v2, v1  }
0x17: {  	v0 =	vsel vm0, $0x40, v0;
	vm15 =	vgt.f32 v3, v1  }
0x18: {  	s3 =	sshra.s32 s4, $0x2;
	v0 =	vsel vm15, $0x50, v0  }
0x19: {  	s30 =	simm.s32 $0x2;
	[tilespmem:s3+$0x1000] =	vst v0  }
0x1a: {  	s4 =	simm.s32 $0x0;
	s3 =	simm.s32 $0x0;
	_ =	swait.ge [sflag:s30], $0x800  }
0x1b: {  	s31 =	sand.u32 $0x70, s3;
	s5 =	sand.u32 $0x600, s3;
	[sflag:s30] =	ssyncset.done $0x0  }
0x1c: {  	v0 =	vimm.s32 $0x30;
	s6 =	sor.u32 s31, s5;
	s5 =	simm.s32 $0x10;
	[sflag:s30] =	ssyncadd.s32 $0xFFFFF800  }
.LBB2_3:
0x1d: {  	p0 =	sne.s32 s5, $0x1F0;
	v1 =	vld [tilespmem:s6+$0x880]  }
0x1e: {  	v2 =	vld [tilespmem:s6+$0x800]  }
0x1f: {  	v3 =	vld [tilespmem:s6+$0x900];
	_ =	sdelay $0x2  }
.Ltmp1:
0x20: {  	(pc) =	sbr.rel @p0 .LBB2_3-.Ltmp1, $4  }
0x21: {  	vm0 =	vgt.f32 v1, v2;
	v1 =	vmax.f32 v2, v1  }
0x22: {  	s3 =	sadd.s32 $0x40, s3;
	v2 =	vsel vm0, $0x40, v0;
	vm0 =	vgt.f32 v3, v1  }
0x23: {  	s4 =	sand.u32 $0x1F0, s4;
	s7 =	sand.u32 $0x600, s3;
	s6 =	sand.u32 $0x70, s5;
	v1 =	vsel vm0, $0x50, v2  }
0x24: {  	s6 =	sor.u32 s6, s7;
	[tilespmem:s4+$0x1200] =	vst v1;
	s4 =	smov.u32 s5;
	s5 =	sadd.s32 $0x10, s5  }
0x25: {  	v1 =	vld [tilespmem:s6+$0x880]  }
0x26: {  	v2 =	vld [tilespmem:s6+$0x800]  }
0x27: {  	v3 =	vld [tilespmem:s6+$0x900];
	_ =	sdelay $0x3  }
0x28: {  	vm0 =	vgt.f32 v1, v2;
	v1 =	vmax.f32 v2, v1  }
0x29: {  	v0 =	vsel vm0, $0x40, v0;
	vm15 =	vgt.f32 v3, v1  }
0x2a: {  	s3 =	sand.u32 $0x1F0, s4;
	s28 =	sshll.u32 s1, $0x7;
	s29 =	simm.s32 $0x0;
	v0 =	vsel vm15, $0x50, v0  }
0x2b: {  	s30 =	simm.s32 $0x1000;
	s31 =	simm.s32 $0x3;
	s2 =	sadd.s32 s2, s28;
	[tilespmem:s3+$0x1200] =	vst v0  }
0x2c: {  	[hbm4b:s2+s29] =	stream.linear.scatter [tilespmem:s30], [sflag:$0x3], $0x400, $0x38;
	[tilespmem:$0x1400] =	vst v63  }
0x2d: {  	_ =	swait.ge [sflag:s31], $0x400  }
0x2e: {  	[sflag:s31] =	ssyncset.done $0x0  }
0x2f: {  	[sflag:s31] =	ssyncadd.s32 $0xFFFFFC00  }
0x30: {  	_ =	sfence.sel $0x180000  }
0x31: {  	[bflag:$0x0] =	sbarrier.arrive $0xFFFF  }
0x32: {  	p0 =	sne.s32 s1, $0x0;
	_ =	strace $0x90000047  }
0x33: {  	s0 =	sadd.s32 @!p0 $0x100000, s0;
	[bflag:$0x2] =	sbarrier.arrive $0xFFFF  }
0x34: {  	[sflag:s0] =	ssyncadd.tile.s32 @!p0 $0x1;
	_ =	shalt  }
.Lfunc_end2:
_tile_overlayer_lowered:
.L_overlay_start_2:
0x35: {  	(tag) =	ssettag $0x2  }
0x36: {  	s0 =	rddreg [dreg:$0x0];
	s2 =	stileid.u32  }
0x37: {  	s1 =	rddreg [dreg:$0x1];
	p0 =	sne.s32 s2, $0x0  }
0x38: {  	s3 =	rddreg [dreg:$0x2];
	[bflag:$0x3] =	sbarrier.arrive $0xFFFF;
	s2 =	simm.s32 @!p0 $0x1C03  }
0x39: {  	[timem:s3], [sflag:s2] =	dma.local @!p0 [hbm:s0], s1  }
0x3a: {  	s0 =	simm.s32 @!p0 $0x3  }
0x3b: {  	_ =	swait.ge @!p0 [sflag:s0], s1  }
0x3c: {  	s1 =	ssub.s32 @!p0 $0x0, s1;
	[sflag:s0] =	ssyncset.done @!p0 $0x0  }
0x3d: {  	[sflag:s0] =	ssyncadd.s32 @!p0 s1  }
0x3e: {  	[bflag:$0x3] =	sbarrier.arrive $0xFFFF  }
0x3f: {  	_ =	shalt  }

</sc_bundles>
